<compile_context>
chip_gen: v7x
topology: tpu7x:2x2x1
jax: 0.10.2.dev20260603
libtpu: 0.0.44.dev20260713+nightly
codegen_flags: <defaults>
</compile_context>

<pallas_src>
import dataclasses
import functools

import jax
import jax.numpy as jnp
from jax.experimental import pallas as pl
from jax.experimental.pallas import tpu as pltpu
from jax.experimental.pallas import tpu_sc as plsc

_BATCH = 16384
_DIMS = [(24, 1052), (1052, 526), (526, 256), (256, 128), (128, 64), (64, 4)]
_NLAYERS = len(_DIMS)
_EPS = 1e-5
_NCODES = 64
_NIN = 3 + _NLAYERS

_DOUTS = [d for _, d in _DIMS]
_BOFF = [sum(_DOUTS[:i]) for i in range(_NLAYERS)]
_GBASE = sum(_DOUTS)
_GOFF = [_GBASE + sum(_DOUTS[:i]) for i in range(_NLAYERS - 1)]
_BEBASE = _GBASE + sum(_DOUTS[:-1])
_BEOFF = [_BEBASE + sum(_DOUTS[:i]) for i in range(_NLAYERS - 1)]
_VLEN = _BEBASE + sum(_DOUTS[:-1])


def _tc_body(*refs):
    hbm = refs[:_NIN]
    h_out_ref, code_out_ref = refs[_NIN], refs[_NIN + 1]
    bufs = refs[_NIN + 2:2 * _NIN + 2]
    sem = refs[-1]

    copies = [pltpu.make_async_copy(hbm[i], bufs[i], sem.at[i])
              for i in range(_NIN)]
    for c in copies:
        c.start()

    xt_ref, eall_ref, vec_ref = bufs[0], bufs[1], bufs[2]
    w_refs = bufs[3:3 + _NLAYERS]

    copies[0].wait()
    xt = xt_ref[...]
    code = xt[0:1, :] * 16 + xt[1:2, :] * 4 + xt[2:3, :]
    code_out_ref[...] = code
    sub = jax.lax.broadcasted_iota(jnp.int32, (_NCODES, _BATCH), 0)
    oht = (code == sub).astype(jnp.bfloat16)

    ones = jnp.ones((_BATCH, 1), jnp.bfloat16)
    counts = jnp.dot(oht, ones, preferred_element_type=jnp.float32)
    w = counts * (1.0 / _BATCH)

    row = jax.lax.broadcasted_iota(jnp.int32, (_NCODES, 4), 0)
    col = jax.lax.broadcasted_iota(jnp.int32, (_NCODES, 4), 1)
    copies[1].wait()
    copies[2].wait()
    parts = []
    for t, shift in enumerate((4, 2, 0)):
        sel = (jnp.right_shift(row, shift) & 3) == col
        et = eall_ref[0:4, 8 * t:8 * t + 8]
        parts.append(jnp.dot(sel.astype(jnp.bfloat16), et.astype(jnp.bfloat16),
                             preferred_element_type=jnp.float32))
    h = jnp.concatenate(parts, axis=1)

    for i in range(_NLAYERS):
        dout = _DOUTS[i]
        bi = vec_ref[0:1, _BOFF[i]:_BOFF[i] + dout]
        copies[3 + i].wait()
        if i == 0:
            z = jnp.dot(h.astype(jnp.bfloat16),
                        w_refs[0][...].astype(jnp.bfloat16),
                        preferred_element_type=jnp.float32) + bi
        else:
            z = jax.lax.dot_general(
                h.astype(jnp.bfloat16), w_refs[i][...].astype(jnp.bfloat16),
                dimension_numbers=(((1,), (1,)), ((), ())),
                preferred_element_type=jnp.float32) + bi
        if i < _NLAYERS - 1:
            gi = vec_ref[0:1, _GOFF[i]:_GOFF[i] + dout]
            bei = vec_ref[0:1, _BEOFF[i]:_BEOFF[i] + dout]
            r = jnp.maximum(z, 0.0)
            m = jnp.sum(w * r, axis=0, keepdims=True)
            d = r - m
            v = jnp.sum(w * (d * d), axis=0, keepdims=True)
            h = d * (gi * jax.lax.rsqrt(v + _EPS)) + bei
        else:
            h = z

    h_out_ref[...] = jnp.transpose(h)


def _sc_gather(ht, codes):
    mesh = plsc.VectorSubcoreMesh(core_axis_name="c", subcore_axis_name="s")
    nw = 32
    bpw = _BATCH // nw

    cp = pltpu.CompilerParams()
    if "needs_layout_passes" in pltpu.CompilerParams.__dataclass_fields__:
        cp = dataclasses.replace(cp, needs_layout_passes=False)

    @functools.partial(
        pl.kernel, mesh=mesh, compiler_params=cp,
        out_type=jax.ShapeDtypeStruct((4, _BATCH), jnp.float32),
        scratch_types=[
            pltpu.VMEM((4, _NCODES), jnp.float32),
            pltpu.VMEM((bpw,), jnp.int32),
            pltpu.VMEM((4, bpw), jnp.float32),
        ],
    )
    def sc_kernel(h_hbm, i_hbm, o_hbm, h_v, idx_v, out_v):
        wid = jax.lax.axis_index("s") * 2 + jax.lax.axis_index("c")
        base = wid * bpw
        pltpu.sync_copy(h_hbm, h_v)
        pltpu.sync_copy(i_hbm.at[0, pl.ds(base, bpw)], idx_v)

        @pl.loop(0, bpw, step=16)
        def _(k):
            idx = idx_v[pl.ds(k, 16)]
            for j in range(4):
                out_v[j, pl.ds(k, 16)] = plsc.load_gather(h_v.at[j], [idx])

        pltpu.sync_copy(out_v, o_hbm.at[:, pl.ds(base, bpw)])

    return sc_kernel(ht, codes)


def kernel(params, x):
    eall = jnp.concatenate([params[f"E{t}"] for t in range(3)], axis=1)
    vec = jnp.concatenate(
        [params[f"b{i}"] for i in range(_NLAYERS)]
        + [params[f"g{i}"] for i in range(_NLAYERS - 1)]
        + [params[f"be{i}"] for i in range(_NLAYERS - 1)]).reshape(1, -1)
    args = [x.T, eall, vec, params["W0"].T]
    args += [params[f"W{i}"] for i in range(1, _NLAYERS)]
    assert len(args) == _NIN and vec.shape[1] == _VLEN
    ht, codes = pl.pallas_call(
        _tc_body,
        in_specs=[pl.BlockSpec(memory_space=pl.ANY)] * _NIN,
        out_shape=[jax.ShapeDtypeStruct((4, _NCODES), jnp.float32),
                   jax.ShapeDtypeStruct((1, _BATCH), jnp.int32)],
        scratch_shapes=([pltpu.VMEM(a.shape, a.dtype) for a in args]
                        + [pltpu.SemaphoreType.DMA((_NIN,))]),
    )(*args)
    return _sc_gather(ht, codes).T

# --- scband reference (transcript-rebuilt; emitter-appended) ---
"""Pipeline reference for scband-my-model-61933428416377 (READ-ONLY COPY).

The authoritative reference and input builder live on the scoring server;
editing this copy changes nothing except your own understanding.
"""

import jax, jax.numpy as jnp
import numpy as np

BATCH = 16384
DIMS = [(24, 1052), (1052, 526), (526, 256), (256, 128), (128, 64), (64, 4)]
EPS = 1e-5


def setup_inputs(seed: int = 0) -> dict:
    key = jax.random.key(seed)
    ks = jax.random.split(key, 64)
    x = jax.random.randint(ks[0], (BATCH, 3), 0, 4, dtype=jnp.int32)
    params = {}
    for t in range(3):
        params[f"E{t}"] = jax.random.normal(ks[1 + t], (4, 8), dtype=jnp.float32)
    ki = 4
    for i, (din, dout) in enumerate(DIMS):
        params[f"W{i}"] = jax.random.normal(ks[ki], (dout, din), dtype=jnp.float32) / np.sqrt(din)
        ki += 1
        params[f"b{i}"] = jnp.zeros((dout,), dtype=jnp.float32)
        if i < len(DIMS) - 1:
            params[f"g{i}"] = jnp.ones((dout,), dtype=jnp.float32)
            params[f"be{i}"] = jnp.zeros((dout,), dtype=jnp.float32)
    return {"params": params, "x": x}


def reference(params, x):
    e1 = jnp.take(params["E0"], x[:, 0], axis=0)
    e2 = jnp.take(params["E1"], x[:, 1], axis=0)
    e3 = jnp.take(params["E2"], x[:, 2], axis=0)
    h = jnp.concatenate([e1, e2, e3], axis=1)
    for i in range(len(DIMS)):
        W = params[f"W{i}"]
        b = params[f"b{i}"]
        h = h @ W.T + b
        if i < len(DIMS) - 1:
            h = jax.nn.relu(h)
            m = jnp.mean(h, axis=0)
            v = jnp.var(h, axis=0)
            h = (h - m) / jnp.sqrt(v + EPS) * params[f"g{i}"] + params[f"be{i}"]
    return h

if __name__ == "__main__":
    import jax
    _d = setup_inputs()
    print(jax.jit(kernel)(*tuple(_d.values())))

</pallas_src>

<mosaic_0001>
#map = affine_map<(d0, d1) -> (0, 0)>
module attributes {stable_mosaic.version = 14 : i64} {
  func.func @sc_kernel(%arg0: i32, %arg1: i32, %arg2: memref<4x64xf32, #tpu.memory_space<hbm>>, %arg3: memref<1x16384xi32, #tpu.memory_space<hbm>>, %arg4: memref<4x16384xf32, #tpu.memory_space<hbm>>, %arg5: memref<4x64xf32, #tpu.memory_space<vmem>>, %arg6: memref<512xi32, #tpu.memory_space<vmem>>, %arg7: memref<4x512xf32, #tpu.memory_space<vmem>>) attributes {dimension_semantics = [#tpu.dimension_semantics<core_parallel>, #tpu.dimension_semantics<subcore_parallel>], iteration_bounds = array<i64: 2, 16>, scalar_prefetch = 0 : i64, scratch_operands = 3 : i64, tpu.core_type = #tpu.core_type<sc_vector_subcore>, window_params = [{transform_indices = #map}, {transform_indices = #map}, {transform_indices = #map}]} {
    %mul3A = arith.constant 2 : i32
    %mul3A_0 = arith.muli %arg1, %mul3A : i32
    %add3A = arith.addi %mul3A_0, %arg0 : i32
    %mul3A_1 = arith.constant 512 : i32
    %mul3A_2 = arith.muli %add3A, %mul3A_1 : i32
    "tpu.region"() ({
      %run_scoped3A_7 = tpu.sem_alloc : memref<!tpu.dma_semaphore, #tpu.memory_space<semaphore_mem>>
      tpu.enqueue_dma source(%arg2 : memref<4x64xf32, #tpu.memory_space<hbm>>) target(%arg5 : memref<4x64xf32, #tpu.memory_space<vmem>>) target_semaphore(%run_scoped3A_7 : memref<!tpu.dma_semaphore, #tpu.memory_space<semaphore_mem>>)
      tpu.wait_dma2 semaphore(%run_scoped3A_7 : memref<!tpu.dma_semaphore, #tpu.memory_space<semaphore_mem>>) src(%arg2 : memref<4x64xf32, #tpu.memory_space<hbm>>) dst(%arg5 : memref<4x64xf32, #tpu.memory_space<vmem>>)
      tpu.yield
    }) : () -> ()
    %run_scoped3A = arith.constant 0 : i32
    "tpu.region"() ({
      %run_scoped3A_7 = tpu.sem_alloc : memref<!tpu.dma_semaphore, #tpu.memory_space<semaphore_mem>>
      %dma_start3A = tpu.memref_slice %arg3[%run_scoped3A, %mul3A_2] : memref<1x16384xi32, #tpu.memory_space<hbm>> -> memref<1x512xi32, #tpu.memory_space<hbm>>
      %dma_start3A_8 = tpu.memref_squeeze %dma_start3A : memref<1x512xi32, #tpu.memory_space<hbm>> -> memref<512xi32, #tpu.memory_space<hbm>>
      %dma_start3A_9 = tpu.memref_slice %arg3[%run_scoped3A, %mul3A_2] : memref<1x16384xi32, #tpu.memory_space<hbm>> -> memref<1x512xi32, #tpu.memory_space<hbm>>
      %dma_start3A_10 = tpu.memref_squeeze %dma_start3A_9 : memref<1x512xi32, #tpu.memory_space<hbm>> -> memref<512xi32, #tpu.memory_space<hbm>>
      tpu.enqueue_dma source(%dma_start3A_10 : memref<512xi32, #tpu.memory_space<hbm>>) target(%arg6 : memref<512xi32, #tpu.memory_space<vmem>>) target_semaphore(%run_scoped3A_7 : memref<!tpu.dma_semaphore, #tpu.memory_space<semaphore_mem>>)
      %dma_wait3A = tpu.memref_slice %arg3[%run_scoped3A, %mul3A_2] : memref<1x16384xi32, #tpu.memory_space<hbm>> -> memref<1x512xi32, #tpu.memory_space<hbm>>
      %dma_wait3A_11 = tpu.memref_squeeze %dma_wait3A : memref<1x512xi32, #tpu.memory_space<hbm>> -> memref<512xi32, #tpu.memory_space<hbm>>
      %dma_wait3A_12 = tpu.memref_slice %arg3[%run_scoped3A, %mul3A_2] : memref<1x16384xi32, #tpu.memory_space<hbm>> -> memref<1x512xi32, #tpu.memory_space<hbm>>
      %dma_wait3A_13 = tpu.memref_squeeze %dma_wait3A_12 : memref<1x512xi32, #tpu.memory_space<hbm>> -> memref<512xi32, #tpu.memory_space<hbm>>
      tpu.wait_dma2 semaphore(%run_scoped3A_7 : memref<!tpu.dma_semaphore, #tpu.memory_space<semaphore_mem>>) src(%dma_wait3A_13 : memref<512xi32, #tpu.memory_space<hbm>>) dst(%arg6 : memref<512xi32, #tpu.memory_space<vmem>>)
      tpu.yield
    }) : () -> ()
    %scan3A = arith.constant 0 : i32
    %scan3A_3 = arith.constant 32 : i32
    %scan3A_4 = arith.addi %scan3A, %scan3A_3 : i32
    %scan3A_5 = arith.constant 1 : i32
    scf.for %scan3A_7 = %scan3A to %scan3A_4 step %scan3A_5  : i32 {
      %mul3A_8 = arith.constant 16 : i32
      %mul3A_9 = arith.muli %scan3A_7, %mul3A_8 : i32
      %add3A_10 = arith.constant 0 : i32
      %add3A_11 = arith.addi %add3A_10, %mul3A_9 : i32
      %get3A = arith.index_cast %add3A_11 : i32 to index
      %get3A_12 = tpu.vector_load %arg6[%get3A] {strides = array<i32>} : memref<512xi32, #tpu.memory_space<vmem>>, vector<16xi32>,
      %gather3A = arith.constant 0 : i32
      %gather3A_13 = arith.constant 0 : i32
      %gather3A_14 = tpu.memref_slice %arg5[%gather3A, %gather3A_13] : memref<4x64xf32, #tpu.memory_space<vmem>> -> memref<1x64xf32, #tpu.memory_space<vmem>>
      %gather3A_15 = tpu.memref_squeeze %gather3A_14 : memref<1x64xf32, #tpu.memory_space<vmem>> -> memref<64xf32, #tpu.memory_space<vmem>>
      %gather3A_16 = tpu.vector_load_idx %gather3A_15[%get3A_12] : memref<64xf32, #tpu.memory_space<vmem>>[vector<16xi32>], vector<16xf32>,
      %swap3A = arith.constant 0 : i32
      %swap3A_17 = arith.index_cast %swap3A : i32 to index
      %swap3A_18 = arith.index_cast %add3A_11 : i32 to index
      %swap3A_19 = tpu.vector_load %arg7[%swap3A_17, %swap3A_18] {strides = array<i32>} : memref<4x512xf32, #tpu.memory_space<vmem>>, vector<16xf32>,
      tpu.vector_store %arg7[%swap3A_17, %swap3A_18], %gather3A_16 {strides = array<i32>} : memref<4x512xf32, #tpu.memory_space<vmem>>, vector<16xf32>,
      %gather3A_20 = arith.constant 1 : i32
      %gather3A_21 = arith.constant 0 : i32
      %gather3A_22 = tpu.memref_slice %arg5[%gather3A_20, %gather3A_21] : memref<4x64xf32, #tpu.memory_space<vmem>> -> memref<1x64xf32, #tpu.memory_space<vmem>>
      %gather3A_23 = tpu.memref_squeeze %gather3A_22 : memref<1x64xf32, #tpu.memory_space<vmem>> -> memref<64xf32, #tpu.memory_space<vmem>>
      %gather3A_24 = tpu.vector_load_idx %gather3A_23[%get3A_12] : memref<64xf32, #tpu.memory_space<vmem>>[vector<16xi32>], vector<16xf32>,
      %swap3A_25 = arith.constant 1 : i32
      %swap3A_26 = arith.index_cast %swap3A_25 : i32 to index
      %swap3A_27 = arith.index_cast %add3A_11 : i32 to index
      %swap3A_28 = tpu.vector_load %arg7[%swap3A_26, %swap3A_27] {strides = array<i32>} : memref<4x512xf32, #tpu.memory_space<vmem>>, vector<16xf32>,
      tpu.vector_store %arg7[%swap3A_26, %swap3A_27], %gather3A_24 {strides = array<i32>} : memref<4x512xf32, #tpu.memory_space<vmem>>, vector<16xf32>,
      %gather3A_29 = arith.constant 2 : i32
      %gather3A_30 = arith.constant 0 : i32
      %gather3A_31 = tpu.memref_slice %arg5[%gather3A_29, %gather3A_30] : memref<4x64xf32, #tpu.memory_space<vmem>> -> memref<1x64xf32, #tpu.memory_space<vmem>>
      %gather3A_32 = tpu.memref_squeeze %gather3A_31 : memref<1x64xf32, #tpu.memory_space<vmem>> -> memref<64xf32, #tpu.memory_space<vmem>>
      %gather3A_33 = tpu.vector_load_idx %gather3A_32[%get3A_12] : memref<64xf32, #tpu.memory_space<vmem>>[vector<16xi32>], vector<16xf32>,
      %swap3A_34 = arith.constant 2 : i32
      %swap3A_35 = arith.index_cast %swap3A_34 : i32 to index
      %swap3A_36 = arith.index_cast %add3A_11 : i32 to index
      %swap3A_37 = tpu.vector_load %arg7[%swap3A_35, %swap3A_36] {strides = array<i32>} : memref<4x512xf32, #tpu.memory_space<vmem>>, vector<16xf32>,
      tpu.vector_store %arg7[%swap3A_35, %swap3A_36], %gather3A_33 {strides = array<i32>} : memref<4x512xf32, #tpu.memory_space<vmem>>, vector<16xf32>,
      %gather3A_38 = arith.constant 3 : i32
      %gather3A_39 = arith.constant 0 : i32
      %gather3A_40 = tpu.memref_slice %arg5[%gather3A_38, %gather3A_39] : memref<4x64xf32, #tpu.memory_space<vmem>> -> memref<1x64xf32, #tpu.memory_space<vmem>>
      %gather3A_41 = tpu.memref_squeeze %gather3A_40 : memref<1x64xf32, #tpu.memory_space<vmem>> -> memref<64xf32, #tpu.memory_space<vmem>>
      %gather3A_42 = tpu.vector_load_idx %gather3A_41[%get3A_12] : memref<64xf32, #tpu.memory_space<vmem>>[vector<16xi32>], vector<16xf32>,
      %swap3A_43 = arith.constant 3 : i32
      %swap3A_44 = arith.index_cast %swap3A_43 : i32 to index
      %swap3A_45 = arith.index_cast %add3A_11 : i32 to index
      %swap3A_46 = tpu.vector_load %arg7[%swap3A_44, %swap3A_45] {strides = array<i32>} : memref<4x512xf32, #tpu.memory_space<vmem>>, vector<16xf32>,
      tpu.vector_store %arg7[%swap3A_44, %swap3A_45], %gather3A_42 {strides = array<i32>} : memref<4x512xf32, #tpu.memory_space<vmem>>, vector<16xf32>,
    }
    %scan3A_6 = arith.constant 32 : i32
    "tpu.region"() ({
      %run_scoped3A_7 = tpu.sem_alloc : memref<!tpu.dma_semaphore, #tpu.memory_space<semaphore_mem>>
      %dma_start3A = arith.constant 0 : i32
      %dma_start3A_8 = tpu.memref_slice %arg4[%dma_start3A, %mul3A_2] : memref<4x16384xf32, #tpu.memory_space<hbm>> -> memref<4x512xf32, #tpu.memory_space<hbm>>
      %dma_start3A_9 = arith.constant 0 : i32
      %dma_start3A_10 = tpu.memref_slice %arg4[%dma_start3A_9, %mul3A_2] : memref<4x16384xf32, #tpu.memory_space<hbm>> -> memref<4x512xf32, #tpu.memory_space<hbm>>
      tpu.enqueue_dma source(%arg7 : memref<4x512xf32, #tpu.memory_space<vmem>>) target(%dma_start3A_10 : memref<4x512xf32, #tpu.memory_space<hbm>>) target_semaphore(%run_scoped3A_7 : memref<!tpu.dma_semaphore, #tpu.memory_space<semaphore_mem>>)
      %dma_wait3A = arith.constant 0 : i32
      %dma_wait3A_11 = tpu.memref_slice %arg4[%dma_wait3A, %mul3A_2] : memref<4x16384xf32, #tpu.memory_space<hbm>> -> memref<4x512xf32, #tpu.memory_space<hbm>>
      %dma_wait3A_12 = arith.constant 0 : i32
      %dma_wait3A_13 = tpu.memref_slice %arg4[%dma_wait3A_12, %mul3A_2] : memref<4x16384xf32, #tpu.memory_space<hbm>> -> memref<4x512xf32, #tpu.memory_space<hbm>>
      tpu.wait_dma2 semaphore(%run_scoped3A_7 : memref<!tpu.dma_semaphore, #tpu.memory_space<semaphore_mem>>) src(%arg7 : memref<4x512xf32, #tpu.memory_space<vmem>>) dst(%dma_wait3A_13 : memref<4x512xf32, #tpu.memory_space<hbm>>)
      tpu.yield
    }) : () -> ()
    return
  }
}

module attributes {stable_mosaic.version = 14 : i64} {
  func.func @_tc_body(%arg0: memref<3x16384xi32, #tpu.memory_space<any>>, %arg1: memref<4x24xf32, #tpu.memory_space<any>>, %arg2: memref<1x6082xf32, #tpu.memory_space<any>>, %arg3: memref<24x1052xf32, #tpu.memory_space<any>>, %arg4: memref<526x1052xf32, #tpu.memory_space<any>>, %arg5: memref<256x526xf32, #tpu.memory_space<any>>, %arg6: memref<128x256xf32, #tpu.memory_space<any>>, %arg7: memref<64x128xf32, #tpu.memory_space<any>>, %arg8: memref<4x64xf32, #tpu.memory_space<any>>, %arg9: memref<4x64xf32, #tpu.memory_space<vmem>>, %arg10: memref<1x16384xi32, #tpu.memory_space<vmem>>, %arg11: memref<3x16384xi32, #tpu.memory_space<vmem>>, %arg12: memref<4x24xf32, #tpu.memory_space<vmem>>, %arg13: memref<1x6082xf32, #tpu.memory_space<vmem>>, %arg14: memref<24x1052xf32, #tpu.memory_space<vmem>>, %arg15: memref<526x1052xf32, #tpu.memory_space<vmem>>, %arg16: memref<256x526xf32, #tpu.memory_space<vmem>>, %arg17: memref<128x256xf32, #tpu.memory_space<vmem>>, %arg18: memref<64x128xf32, #tpu.memory_space<vmem>>, %arg19: memref<4x64xf32, #tpu.memory_space<vmem>>, %arg20: memref<9x!tpu.dma_semaphore, #tpu.memory_space<semaphore_mem>>) attributes {dimension_semantics = [], scalar_prefetch = 0 : i64, scratch_operands = 10 : i64, tpu.core_type = #tpu.core_type<tc>} {
    %dma_start3A = arith.constant 0 : i32
    %dma_start3A_0 = tpu.memref_slice %arg20[%dma_start3A] : memref<9x!tpu.dma_semaphore, #tpu.memory_space<semaphore_mem>> -> memref<1x!tpu.dma_semaphore, #tpu.memory_space<semaphore_mem>>
    %dma_start3A_1 = tpu.memref_squeeze %dma_start3A_0 : memref<1x!tpu.dma_semaphore, #tpu.memory_space<semaphore_mem>> -> memref<!tpu.dma_semaphore, #tpu.memory_space<semaphore_mem>>
    tpu.enqueue_dma source(%arg0 : memref<3x16384xi32, #tpu.memory_space<any>>) target(%arg11 : memref<3x16384xi32, #tpu.memory_space<vmem>>) target_semaphore(%dma_start3A_1 : memref<!tpu.dma_semaphore, #tpu.memory_space<semaphore_mem>>)
    %dma_start3A_2 = arith.constant 1 : i32
    %dma_start3A_3 = tpu.memref_slice %arg20[%dma_start3A_2] : memref<9x!tpu.dma_semaphore, #tpu.memory_space<semaphore_mem>> -> memref<1x!tpu.dma_semaphore, #tpu.memory_space<semaphore_mem>>
    %dma_start3A_4 = tpu.memref_squeeze %dma_start3A_3 : memref<1x!tpu.dma_semaphore, #tpu.memory_space<semaphore_mem>> -> memref<!tpu.dma_semaphore, #tpu.memory_space<semaphore_mem>>
    tpu.enqueue_dma source(%arg1 : memref<4x24xf32, #tpu.memory_space<any>>) target(%arg12 : memref<4x24xf32, #tpu.memory_space<vmem>>) target_semaphore(%dma_start3A_4 : memref<!tpu.dma_semaphore, #tpu.memory_space<semaphore_mem>>)
    %dma_start3A_5 = arith.constant 2 : i32
    %dma_start3A_6 = tpu.memref_slice %arg20[%dma_start3A_5] : memref<9x!tpu.dma_semaphore, #tpu.memory_space<semaphore_mem>> -> memref<1x!tpu.dma_semaphore, #tpu.memory_space<semaphore_mem>>
    %dma_start3A_7 = tpu.memref_squeeze %dma_start3A_6 : memref<1x!tpu.dma_semaphore, #tpu.memory_space<semaphore_mem>> -> memref<!tpu.dma_semaphore, #tpu.memory_space<semaphore_mem>>
    tpu.enqueue_dma source(%arg2 : memref<1x6082xf32, #tpu.memory_space<any>>) target(%arg13 : memref<1x6082xf32, #tpu.memory_space<vmem>>) target_semaphore(%dma_start3A_7 : memref<!tpu.dma_semaphore, #tpu.memory_space<semaphore_mem>>)
    %dma_start3A_8 = arith.constant 3 : i32
    %dma_start3A_9 = tpu.memref_slice %arg20[%dma_start3A_8] : memref<9x!tpu.dma_semaphore, #tpu.memory_space<semaphore_mem>> -> memref<1x!tpu.dma_semaphore, #tpu.memory_space<semaphore_mem>>
    %dma_start3A_10 = tpu.memref_squeeze %dma_start3A_9 : memref<1x!tpu.dma_semaphore, #tpu.memory_space<semaphore_mem>> -> memref<!tpu.dma_semaphore, #tpu.memory_space<semaphore_mem>>
    tpu.enqueue_dma source(%arg3 : memref<24x1052xf32, #tpu.memory_space<any>>) target(%arg14 : memref<24x1052xf32, #tpu.memory_space<vmem>>) target_semaphore(%dma_start3A_10 : memref<!tpu.dma_semaphore, #tpu.memory_space<semaphore_mem>>)
    %dma_start3A_11 = arith.constant 4 : i32
    %dma_start3A_12 = tpu.memref_slice %arg20[%dma_start3A_11] : memref<9x!tpu.dma_semaphore, #tpu.memory_space<semaphore_mem>> -> memref<1x!tpu.dma_semaphore, #tpu.memory_space<semaphore_mem>>
    %dma_start3A_13 = tpu.memref_squeeze %dma_start3A_12 : memref<1x!tpu.dma_semaphore, #tpu.memory_space<semaphore_mem>> -> memref<!tpu.dma_semaphore, #tpu.memory_space<semaphore_mem>>
    tpu.enqueue_dma source(%arg4 : memref<526x1052xf32, #tpu.memory_space<any>>) target(%arg15 : memref<526x1052xf32, #tpu.memory_space<vmem>>) target_semaphore(%dma_start3A_13 : memref<!tpu.dma_semaphore, #tpu.memory_space<semaphore_mem>>)
    %dma_start3A_14 = arith.constant 5 : i32
    %dma_start3A_15 = tpu.memref_slice %arg20[%dma_start3A_14] : memref<9x!tpu.dma_semaphore, #tpu.memory_space<semaphore_mem>> -> memref<1x!tpu.dma_semaphore, #tpu.memory_space<semaphore_mem>>
    %dma_start3A_16 = tpu.memref_squeeze %dma_start3A_15 : memref<1x!tpu.dma_semaphore, #tpu.memory_space<semaphore_mem>> -> memref<!tpu.dma_semaphore, #tpu.memory_space<semaphore_mem>>
    tpu.enqueue_dma source(%arg5 : memref<256x526xf32, #tpu.memory_space<any>>) target(%arg16 : memref<256x526xf32, #tpu.memory_space<vmem>>) target_semaphore(%dma_start3A_16 : memref<!tpu.dma_semaphore, #tpu.memory_space<semaphore_mem>>)
    %dma_start3A_17 = arith.constant 6 : i32
    %dma_start3A_18 = tpu.memref_slice %arg20[%dma_start3A_17] : memref<9x!tpu.dma_semaphore, #tpu.memory_space<semaphore_mem>> -> memref<1x!tpu.dma_semaphore, #tpu.memory_space<semaphore_mem>>
    %dma_start3A_19 = tpu.memref_squeeze %dma_start3A_18 : memref<1x!tpu.dma_semaphore, #tpu.memory_space<semaphore_mem>> -> memref<!tpu.dma_semaphore, #tpu.memory_space<semaphore_mem>>
    tpu.enqueue_dma source(%arg6 : memref<128x256xf32, #tpu.memory_space<any>>) target(%arg17 : memref<128x256xf32, #tpu.memory_space<vmem>>) target_semaphore(%dma_start3A_19 : memref<!tpu.dma_semaphore, #tpu.memory_space<semaphore_mem>>)
    %dma_start3A_20 = arith.constant 7 : i32
    %dma_start3A_21 = tpu.memref_slice %arg20[%dma_start3A_20] : memref<9x!tpu.dma_semaphore, #tpu.memory_space<semaphore_mem>> -> memref<1x!tpu.dma_semaphore, #tpu.memory_space<semaphore_mem>>
    %dma_start3A_22 = tpu.memref_squeeze %dma_start3A_21 : memref<1x!tpu.dma_semaphore, #tpu.memory_space<semaphore_mem>> -> memref<!tpu.dma_semaphore, #tpu.memory_space<semaphore_mem>>
    tpu.enqueue_dma source(%arg7 : memref<64x128xf32, #tpu.memory_space<any>>) target(%arg18 : memref<64x128xf32, #tpu.memory_space<vmem>>) target_semaphore(%dma_start3A_22 : memref<!tpu.dma_semaphore, #tpu.memory_space<semaphore_mem>>)
    %dma_start3A_23 = arith.constant 8 : i32
    %dma_start3A_24 = tpu.memref_slice %arg20[%dma_start3A_23] : memref<9x!tpu.dma_semaphore, #tpu.memory_space<semaphore_mem>> -> memref<1x!tpu.dma_semaphore, #tpu.memory_space<semaphore_mem>>
    %dma_start3A_25 = tpu.memref_squeeze %dma_start3A_24 : memref<1x!tpu.dma_semaphore, #tpu.memory_space<semaphore_mem>> -> memref<!tpu.dma_semaphore, #tpu.memory_space<semaphore_mem>>
    tpu.enqueue_dma source(%arg8 : memref<4x64xf32, #tpu.memory_space<any>>) target(%arg19 : memref<4x64xf32, #tpu.memory_space<vmem>>) target_semaphore(%dma_start3A_25 : memref<!tpu.dma_semaphore, #tpu.memory_space<semaphore_mem>>)
    %dma_wait3A = arith.constant 0 : i32
    %dma_wait3A_26 = tpu.memref_slice %arg20[%dma_wait3A] : memref<9x!tpu.dma_semaphore, #tpu.memory_space<semaphore_mem>> -> memref<1x!tpu.dma_semaphore, #tpu.memory_space<semaphore_mem>>
    %dma_wait3A_27 = tpu.memref_squeeze %dma_wait3A_26 : memref<1x!tpu.dma_semaphore, #tpu.memory_space<semaphore_mem>> -> memref<!tpu.dma_semaphore, #tpu.memory_space<semaphore_mem>>
    tpu.wait_dma2 semaphore(%dma_wait3A_27 : memref<!tpu.dma_semaphore, #tpu.memory_space<semaphore_mem>>) src(%arg0 : memref<3x16384xi32, #tpu.memory_space<any>>) dst(%arg11 : memref<3x16384xi32, #tpu.memory_space<vmem>>)
    %get3A = arith.constant 0 : index
    %get3A_28 = arith.constant 0 : index
    %get3A_29 = vector.load %arg11[%get3A, %get3A_28] : memref<3x16384xi32, #tpu.memory_space<vmem>>, vector<3x16384xi32>
    %slice3A = vector.extract_strided_slice %get3A_29 {offsets = [0, 0], sizes = [1, 16384], strides = [1, 1]} : vector<3x16384xi32> to vector<1x16384xi32>
    %mul3A = arith.constant 16 : i32
    %mul3A_30 = vector.broadcast %mul3A : i32 to vector<1x16384xi32>
    %mul3A_31 = arith.muli %slice3A, %mul3A_30 : vector<1x16384xi32>
    %slice3A_32 = vector.extract_strided_slice %get3A_29 {offsets = [1, 0], sizes = [1, 16384], strides = [1, 1]} : vector<3x16384xi32> to vector<1x16384xi32>
    %mul3A_33 = arith.constant 4 : i32
    %mul3A_34 = vector.broadcast %mul3A_33 : i32 to vector<1x16384xi32>
    %mul3A_35 = arith.muli %slice3A_32, %mul3A_34 : vector<1x16384xi32>
    %add3A = arith.addi %mul3A_31, %mul3A_35 : vector<1x16384xi32>
    %slice3A_36 = vector.extract_strided_slice %get3A_29 {offsets = [2, 0], sizes = [1, 16384], strides = [1, 1]} : vector<3x16384xi32> to vector<1x16384xi32>
    %add3A_37 = arith.addi %add3A, %slice3A_36 : vector<1x16384xi32>
    %swap3A = arith.constant 0 : index
    %swap3A_38 = arith.constant 0 : index
    %swap3A_39 = vector.load %arg10[%swap3A, %swap3A_38] : memref<1x16384xi32, #tpu.memory_space<vmem>>, vector<1x16384xi32>
    tpu.vector_store %arg10[%swap3A, %swap3A_38], %add3A_37 {strides = array<i32>} : memref<1x16384xi32, #tpu.memory_space<vmem>>, vector<1x16384xi32>,
    %iota3A = tpu.iota {dimensions = array<i32: 0>} : vector<64x16384xi32>
    %eq3A = vector.broadcast %add3A_37 : vector<1x16384xi32> to vector<64x16384xi32>
    %eq3A_40 = arith.cmpi eq, %eq3A, %iota3A : vector<64x16384xi32>
    %convert_element_type3A = arith.extui %eq3A_40 : vector<64x16384xi1> to vector<64x16384xi32>
    %convert_element_type3A_41 = arith.sitofp %convert_element_type3A : vector<64x16384xi32> to vector<64x16384xf32>
    %convert_element_type3A_42 = arith.truncf %convert_element_type3A_41 : vector<64x16384xf32> to vector<64x16384xbf16>
    %broadcast_in_dim3A = arith.constant 1.000000e+00 : bf16
    %broadcast_in_dim3A_43 = vector.broadcast %broadcast_in_dim3A : bf16 to vector<16384x1xbf16>
    %dot_general3A = arith.constant dense<0.000000e+00> : vector<64x1xf32>
    %dot_general3A_44 = tpu.matmul %convert_element_type3A_42, %broadcast_in_dim3A_43, %dot_general3A {dimension_numbers = #tpu.dot_dimension_numbers<[1], [0], [0], [1], [0, 0, 1, 1], [], []>, transpose_lhs_hint = false} : vector<64x16384xbf16>, vector<16384x1xbf16>, vector<64x1xf32> -> vector<64x1xf32>
    %mul3A_45 = arith.constant 6.10351563E-5 : f32
    %mul3A_46 = vector.broadcast %mul3A_45 : f32 to vector<64x1xf32>
    %mul3A_47 = arith.mulf %dot_general3A_44, %mul3A_46 : vector<64x1xf32>
    %iota3A_48 = tpu.iota {dimensions = array<i32: 0>} : vector<64x4xi32>
    %iota3A_49 = tpu.iota {dimensions = array<i32: 1>} : vector<64x4xi32>
    %dma_wait3A_50 = arith.constant 1 : i32
    %dma_wait3A_51 = tpu.memref_slice %arg20[%dma_wait3A_50] : memref<9x!tpu.dma_semaphore, #tpu.memory_space<semaphore_mem>> -> memref<1x!tpu.dma_semaphore, #tpu.memory_space<semaphore_mem>>
    %dma_wait3A_52 = tpu.memref_squeeze %dma_wait3A_51 : memref<1x!tpu.dma_semaphore, #tpu.memory_space<semaphore_mem>> -> memref<!tpu.dma_semaphore, #tpu.memory_space<semaphore_mem>>
    tpu.wait_dma2 semaphore(%dma_wait3A_52 : memref<!tpu.dma_semaphore, #tpu.memory_space<semaphore_mem>>) src(%arg1 : memref<4x24xf32, #tpu.memory_space<any>>) dst(%arg12 : memref<4x24xf32, #tpu.memory_space<vmem>>)
    %dma_wait3A_53 = arith.constant 2 : i32
    %dma_wait3A_54 = tpu.memref_slice %arg20[%dma_wait3A_53] : memref<9x!tpu.dma_semaphore, #tpu.memory_space<semaphore_mem>> -> memref<1x!tpu.dma_semaphore, #tpu.memory_space<semaphore_mem>>
    %dma_wait3A_55 = tpu.memref_squeeze %dma_wait3A_54 : memref<1x!tpu.dma_semaphore, #tpu.memory_space<semaphore_mem>> -> memref<!tpu.dma_semaphore, #tpu.memory_space<semaphore_mem>>
    tpu.wait_dma2 semaphore(%dma_wait3A_55 : memref<!tpu.dma_semaphore, #tpu.memory_space<semaphore_mem>>) src(%arg2 : memref<1x6082xf32, #tpu.memory_space<any>>) dst(%arg13 : memref<1x6082xf32, #tpu.memory_space<vmem>>)
    %shift_right_arithmetic3A = arith.constant 4 : i32
    %shift_right_arithmetic3A_56 = vector.broadcast %shift_right_arithmetic3A : i32 to vector<64x4xi32>
    %shift_right_arithmetic3A_57 = arith.shrsi %iota3A_48, %shift_right_arithmetic3A_56 : vector<64x4xi32>
    %and3A = arith.constant 3 : i32
    %and3A_58 = vector.broadcast %and3A : i32 to vector<64x4xi32>
    %and3A_59 = arith.andi %shift_right_arithmetic3A_57, %and3A_58 : vector<64x4xi32>
    %eq3A_60 = arith.cmpi eq, %and3A_59, %iota3A_49 : vector<64x4xi32>
    %get3A_61 = arith.constant 0 : index
    %get3A_62 = arith.constant 0 : index
    %get3A_63 = vector.load %arg12[%get3A_61, %get3A_62] : memref<4x24xf32, #tpu.memory_space<vmem>>, vector<4x8xf32>
    %convert_element_type3A_64 = arith.extui %eq3A_60 : vector<64x4xi1> to vector<64x4xi32>
    %convert_element_type3A_65 = arith.sitofp %convert_element_type3A_64 : vector<64x4xi32> to vector<64x4xf32>
    %convert_element_type3A_66 = arith.truncf %convert_element_type3A_65 : vector<64x4xf32> to vector<64x4xbf16>
    %convert_element_type3A_67 = arith.truncf %get3A_63 : vector<4x8xf32> to vector<4x8xbf16>
    %dot_general3A_68 = arith.constant dense<0.000000e+00> : vector<64x8xf32>
    %dot_general3A_69 = tpu.matmul %convert_element_type3A_66, %convert_element_type3A_67, %dot_general3A_68 {dimension_numbers = #tpu.dot_dimension_numbers<[1], [0], [0], [1], [0, 0, 1, 1], [], []>, transpose_lhs_hint = false} : vector<64x4xbf16>, vector<4x8xbf16>, vector<64x8xf32> -> vector<64x8xf32>
    %shift_right_arithmetic3A_70 = arith.constant 2 : i32
    %shift_right_arithmetic3A_71 = vector.broadcast %shift_right_arithmetic3A_70 : i32 to vector<64x4xi32>
    %shift_right_arithmetic3A_72 = arith.shrsi %iota3A_48, %shift_right_arithmetic3A_71 : vector<64x4xi32>
    %and3A_73 = arith.constant 3 : i32
    %and3A_74 = vector.broadcast %and3A_73 : i32 to vector<64x4xi32>
    %and3A_75 = arith.andi %shift_right_arithmetic3A_72, %and3A_74 : vector<64x4xi32>
    %eq3A_76 = arith.cmpi eq, %and3A_75, %iota3A_49 : vector<64x4xi32>
    %get3A_77 = arith.constant 0 : index
    %get3A_78 = arith.constant 8 : index
    %get3A_79 = vector.load %arg12[%get3A_77, %get3A_78] : memref<4x24xf32, #tpu.memory_space<vmem>>, vector<4x8xf32>
    %convert_element_type3A_80 = arith.extui %eq3A_76 : vector<64x4xi1> to vector<64x4xi32>
    %convert_element_type3A_81 = arith.sitofp %convert_element_type3A_80 : vector<64x4xi32> to vector<64x4xf32>
    %convert_element_type3A_82 = arith.truncf %convert_element_type3A_81 : vector<64x4xf32> to vector<64x4xbf16>
    %convert_element_type3A_83 = arith.truncf %get3A_79 : vector<4x8xf32> to vector<4x8xbf16>
    %dot_general3A_84 = arith.constant dense<0.000000e+00> : vector<64x8xf32>
    %dot_general3A_85 = tpu.matmul %convert_element_type3A_82, %convert_element_type3A_83, %dot_general3A_84 {dimension_numbers = #tpu.dot_dimension_numbers<[1], [0], [0], [1], [0, 0, 1, 1], [], []>, transpose_lhs_hint = false} : vector<64x4xbf16>, vector<4x8xbf16>, vector<64x8xf32> -> vector<64x8xf32>
    %shift_right_arithmetic3A_86 = arith.constant 0 : i32
    %shift_right_arithmetic3A_87 = vector.broadcast %shift_right_arithmetic3A_86 : i32 to vector<64x4xi32>
    %shift_right_arithmetic3A_88 = arith.shrsi %iota3A_48, %shift_right_arithmetic3A_87 : vector<64x4xi32>
    %and3A_89 = arith.constant 3 : i32
    %and3A_90 = vector.broadcast %and3A_89 : i32 to vector<64x4xi32>
    %and3A_91 = arith.andi %shift_right_arithmetic3A_88, %and3A_90 : vector<64x4xi32>
    %eq3A_92 = arith.cmpi eq, %and3A_91, %iota3A_49 : vector<64x4xi32>
    %get3A_93 = arith.constant 0 : index
    %get3A_94 = arith.constant 16 : index
    %get3A_95 = vector.load %arg12[%get3A_93, %get3A_94] : memref<4x24xf32, #tpu.memory_space<vmem>>, vector<4x8xf32>
    %convert_element_type3A_96 = arith.extui %eq3A_92 : vector<64x4xi1> to vector<64x4xi32>
    %convert_element_type3A_97 = arith.sitofp %convert_element_type3A_96 : vector<64x4xi32> to vector<64x4xf32>
    %convert_element_type3A_98 = arith.truncf %convert_element_type3A_97 : vector<64x4xf32> to vector<64x4xbf16>
    %convert_element_type3A_99 = arith.truncf %get3A_95 : vector<4x8xf32> to vector<4x8xbf16>
    %dot_general3A_100 = arith.constant dense<0.000000e+00> : vector<64x8xf32>
    %dot_general3A_101 = tpu.matmul %convert_element_type3A_98, %convert_element_type3A_99, %dot_general3A_100 {dimension_numbers = #tpu.dot_dimension_numbers<[1], [0], [0], [1], [0, 0, 1, 1], [], []>, transpose_lhs_hint = false} : vector<64x4xbf16>, vector<4x8xbf16>, vector<64x8xf32> -> vector<64x8xf32>
    %concatenate3A = tpu.concatenate %dot_general3A_69, %dot_general3A_85, %dot_general3A_101 in 1 : vector<64x8xf32>, vector<64x8xf32>, vector<64x8xf32> -> vector<64x24xf32>
    %get3A_102 = arith.constant 0 : index
    %get3A_103 = arith.constant 0 : index
    %get3A_104 = vector.load %arg13[%get3A_102, %get3A_103] : memref<1x6082xf32, #tpu.memory_space<vmem>>, vector<1x1052xf32>
    %dma_wait3A_105 = arith.constant 3 : i32
    %dma_wait3A_106 = tpu.memref_slice %arg20[%dma_wait3A_105] : memref<9x!tpu.dma_semaphore, #tpu.memory_space<semaphore_mem>> -> memref<1x!tpu.dma_semaphore, #tpu.memory_space<semaphore_mem>>
    %dma_wait3A_107 = tpu.memref_squeeze %dma_wait3A_106 : memref<1x!tpu.dma_semaphore, #tpu.memory_space<semaphore_mem>> -> memref<!tpu.dma_semaphore, #tpu.memory_space<semaphore_mem>>
    tpu.wait_dma2 semaphore(%dma_wait3A_107 : memref<!tpu.dma_semaphore, #tpu.memory_space<semaphore_mem>>) src(%arg3 : memref<24x1052xf32, #tpu.memory_space<any>>) dst(%arg14 : memref<24x1052xf32, #tpu.memory_space<vmem>>)
    %convert_element_type3A_108 = arith.truncf %concatenate3A : vector<64x24xf32> to vector<64x24xbf16>
    %get3A_109 = arith.constant 0 : index
    %get3A_110 = arith.constant 0 : index
    %get3A_111 = vector.load %arg14[%get3A_109, %get3A_110] : memref<24x1052xf32, #tpu.memory_space<vmem>>, vector<24x1052xf32>
    %convert_element_type3A_112 = arith.truncf %get3A_111 : vector<24x1052xf32> to vector<24x1052xbf16>
    %dot_general3A_113 = arith.constant dense<0.000000e+00> : vector<64x1052xf32>
    %dot_general3A_114 = tpu.matmul %convert_element_type3A_108, %convert_element_type3A_112, %dot_general3A_113 {dimension_numbers = #tpu.dot_dimension_numbers<[1], [0], [0], [1], [0, 0, 1, 1], [], []>, transpose_lhs_hint = false} : vector<64x24xbf16>, vector<24x1052xbf16>, vector<64x1052xf32> -> vector<64x1052xf32>
    %add3A_115 = vector.broadcast %get3A_104 : vector<1x1052xf32> to vector<64x1052xf32>
    %add3A_116 = arith.addf %dot_general3A_114, %add3A_115 : vector<64x1052xf32>
    %get3A_117 = arith.constant 0 : index
    %get3A_118 = arith.constant 2030 : index
    %get3A_119 = vector.load %arg13[%get3A_117, %get3A_118] : memref<1x6082xf32, #tpu.memory_space<vmem>>, vector<1x1052xf32>
    %get3A_120 = arith.constant 0 : index
    %get3A_121 = arith.constant 4056 : index
    %get3A_122 = vector.load %arg13[%get3A_120, %get3A_121] : memref<1x6082xf32, #tpu.memory_space<vmem>>, vector<1x1052xf32>
    %max3A = arith.constant 0.000000e+00 : f32
    %max3A_123 = vector.broadcast %max3A : f32 to vector<64x1052xf32>
    %max3A_124 = arith.maximumf %add3A_116, %max3A_123 : vector<64x1052xf32>
    %mul3A_125 = vector.broadcast %mul3A_47 : vector<64x1xf32> to vector<64x1052xf32>
    %mul3A_126 = arith.mulf %mul3A_125, %max3A_124 : vector<64x1052xf32>
    %reduce_sum3A = arith.constant dense<0.000000e+00> : vector<1052xf32>
    %reduce_sum3A_127 = vector.multi_reduction <add>, %mul3A_126, %reduce_sum3A [0] : vector<64x1052xf32> to vector<1052xf32>
    %broadcast_in_dim3A_128 = vector.shape_cast %reduce_sum3A_127 : vector<1052xf32> to vector<1x1052xf32>
    %sub3A = vector.broadcast %broadcast_in_dim3A_128 : vector<1x1052xf32> to vector<64x1052xf32>
    %sub3A_129 = arith.subf %max3A_124, %sub3A : vector<64x1052xf32>
    %mul3A_130 = arith.mulf %sub3A_129, %sub3A_129 : vector<64x1052xf32>
    %mul3A_131 = vector.broadcast %mul3A_47 : vector<64x1xf32> to vector<64x1052xf32>
    %mul3A_132 = arith.mulf %mul3A_131, %mul3A_130 : vector<64x1052xf32>
    %reduce_sum3A_133 = arith.constant dense<0.000000e+00> : vector<1052xf32>
    %reduce_sum3A_134 = vector.multi_reduction <add>, %mul3A_132, %reduce_sum3A_133 [0] : vector<64x1052xf32> to vector<1052xf32>
    %broadcast_in_dim3A_135 = vector.shape_cast %reduce_sum3A_134 : vector<1052xf32> to vector<1x1052xf32>
    %add3A_136 = arith.constant 9.99999974E-6 : f32
    %add3A_137 = vector.broadcast %add3A_136 : f32 to vector<1x1052xf32>
    %add3A_138 = arith.addf %broadcast_in_dim3A_135, %add3A_137 : vector<1x1052xf32>
    %rsqrt3A = math.rsqrt %add3A_138 : vector<1x1052xf32>
    %mul3A_139 = arith.mulf %get3A_119, %rsqrt3A : vector<1x1052xf32>
    %mul3A_140 = vector.broadcast %mul3A_139 : vector<1x1052xf32> to vector<64x1052xf32>
    %mul3A_141 = arith.mulf %sub3A_129, %mul3A_140 : vector<64x1052xf32>
    %add3A_142 = vector.broadcast %get3A_122 : vector<1x1052xf32> to vector<64x1052xf32>
    %add3A_143 = arith.addf %mul3A_141, %add3A_142 : vector<64x1052xf32>
    %get3A_144 = arith.constant 0 : index
    %get3A_145 = arith.constant 1052 : index
    %get3A_146 = vector.load %arg13[%get3A_144, %get3A_145] : memref<1x6082xf32, #tpu.memory_space<vmem>>, vector<1x526xf32>
    %dma_wait3A_147 = arith.constant 4 : i32
    %dma_wait3A_148 = tpu.memref_slice %arg20[%dma_wait3A_147] : memref<9x!tpu.dma_semaphore, #tpu.memory_space<semaphore_mem>> -> memref<1x!tpu.dma_semaphore, #tpu.memory_space<semaphore_mem>>
    %dma_wait3A_149 = tpu.memref_squeeze %dma_wait3A_148 : memref<1x!tpu.dma_semaphore, #tpu.memory_space<semaphore_mem>> -> memref<!tpu.dma_semaphore, #tpu.memory_space<semaphore_mem>>
    tpu.wait_dma2 semaphore(%dma_wait3A_149 : memref<!tpu.dma_semaphore, #tpu.memory_space<semaphore_mem>>) src(%arg4 : memref<526x1052xf32, #tpu.memory_space<any>>) dst(%arg15 : memref<526x1052xf32, #tpu.memory_space<vmem>>)
    %convert_element_type3A_150 = arith.truncf %add3A_143 : vector<64x1052xf32> to vector<64x1052xbf16>
    %get3A_151 = arith.constant 0 : index
    %get3A_152 = arith.constant 0 : index
    %get3A_153 = vector.load %arg15[%get3A_151, %get3A_152] : memref<526x1052xf32, #tpu.memory_space<vmem>>, vector<526x1052xf32>
    %convert_element_type3A_154 = arith.truncf %get3A_153 : vector<526x1052xf32> to vector<526x1052xbf16>
    %dot_general3A_155 = arith.constant dense<0.000000e+00> : vector<64x526xf32>
    %dot_general3A_156 = tpu.matmul %convert_element_type3A_150, %convert_element_type3A_154, %dot_general3A_155 {dimension_numbers = #tpu.dot_dimension_numbers<[1], [1], [0], [0], [0, 0, 1, 0], [], []>, transpose_lhs_hint = false} : vector<64x1052xbf16>, vector<526x1052xbf16>, vector<64x526xf32> -> vector<64x526xf32>
    %add3A_157 = vector.broadcast %get3A_146 : vector<1x526xf32> to vector<64x526xf32>
    %add3A_158 = arith.addf %dot_general3A_156, %add3A_157 : vector<64x526xf32>
    %get3A_159 = arith.constant 0 : index
    %get3A_160 = arith.constant 3082 : index
    %get3A_161 = vector.load %arg13[%get3A_159, %get3A_160] : memref<1x6082xf32, #tpu.memory_space<vmem>>, vector<1x526xf32>
    %get3A_162 = arith.constant 0 : index
    %get3A_163 = arith.constant 5108 : index
    %get3A_164 = vector.load %arg13[%get3A_162, %get3A_163] : memref<1x6082xf32, #tpu.memory_space<vmem>>, vector<1x526xf32>
    %max3A_165 = arith.constant 0.000000e+00 : f32
    %max3A_166 = vector.broadcast %max3A_165 : f32 to vector<64x526xf32>
    %max3A_167 = arith.maximumf %add3A_158, %max3A_166 : vector<64x526xf32>
    %mul3A_168 = vector.broadcast %mul3A_47 : vector<64x1xf32> to vector<64x526xf32>
    %mul3A_169 = arith.mulf %mul3A_168, %max3A_167 : vector<64x526xf32>
    %reduce_sum3A_170 = arith.constant dense<0.000000e+00> : vector<526xf32>
    %reduce_sum3A_171 = vector.multi_reduction <add>, %mul3A_169, %reduce_sum3A_170 [0] : vector<64x526xf32> to vector<526xf32>
    %broadcast_in_dim3A_172 = vector.shape_cast %reduce_sum3A_171 : vector<526xf32> to vector<1x526xf32>
    %sub3A_173 = vector.broadcast %broadcast_in_dim3A_172 : vector<1x526xf32> to vector<64x526xf32>
    %sub3A_174 = arith.subf %max3A_167, %sub3A_173 : vector<64x526xf32>
    %mul3A_175 = arith.mulf %sub3A_174, %sub3A_174 : vector<64x526xf32>
    %mul3A_176 = vector.broadcast %mul3A_47 : vector<64x1xf32> to vector<64x526xf32>
    %mul3A_177 = arith.mulf %mul3A_176, %mul3A_175 : vector<64x526xf32>
    %reduce_sum3A_178 = arith.constant dense<0.000000e+00> : vector<526xf32>
    %reduce_sum3A_179 = vector.multi_reduction <add>, %mul3A_177, %reduce_sum3A_178 [0] : vector<64x526xf32> to vector<526xf32>
    %broadcast_in_dim3A_180 = vector.shape_cast %reduce_sum3A_179 : vector<526xf32> to vector<1x526xf32>
    %add3A_181 = arith.constant 9.99999974E-6 : f32
    %add3A_182 = vector.broadcast %add3A_181 : f32 to vector<1x526xf32>
    %add3A_183 = arith.addf %broadcast_in_dim3A_180, %add3A_182 : vector<1x526xf32>
    %rsqrt3A_184 = math.rsqrt %add3A_183 : vector<1x526xf32>
    %mul3A_185 = arith.mulf %get3A_161, %rsqrt3A_184 : vector<1x526xf32>
    %mul3A_186 = vector.broadcast %mul3A_185 : vector<1x526xf32> to vector<64x526xf32>
    %mul3A_187 = arith.mulf %sub3A_174, %mul3A_186 : vector<64x526xf32>
    %add3A_188 = vector.broadcast %get3A_164 : vector<1x526xf32> to vector<64x526xf32>
    %add3A_189 = arith.addf %mul3A_187, %add3A_188 : vector<64x526xf32>
    %get3A_190 = arith.constant 0 : index
    %get3A_191 = arith.constant 1578 : index
    %get3A_192 = vector.load %arg13[%get3A_190, %get3A_191] : memref<1x6082xf32, #tpu.memory_space<vmem>>, vector<1x256xf32>
    %dma_wait3A_193 = arith.constant 5 : i32
    %dma_wait3A_194 = tpu.memref_slice %arg20[%dma_wait3A_193] : memref<9x!tpu.dma_semaphore, #tpu.memory_space<semaphore_mem>> -> memref<1x!tpu.dma_semaphore, #tpu.memory_space<semaphore_mem>>
    %dma_wait3A_195 = tpu.memref_squeeze %dma_wait3A_194 : memref<1x!tpu.dma_semaphore, #tpu.memory_space<semaphore_mem>> -> memref<!tpu.dma_semaphore, #tpu.memory_space<semaphore_mem>>
    tpu.wait_dma2 semaphore(%dma_wait3A_195 : memref<!tpu.dma_semaphore, #tpu.memory_space<semaphore_mem>>) src(%arg5 : memref<256x526xf32, #tpu.memory_space<any>>) dst(%arg16 : memref<256x526xf32, #tpu.memory_space<vmem>>)
    %convert_element_type3A_196 = arith.truncf %add3A_189 : vector<64x526xf32> to vector<64x526xbf16>
    %get3A_197 = arith.constant 0 : index
    %get3A_198 = arith.constant 0 : index
    %get3A_199 = vector.load %arg16[%get3A_197, %get3A_198] : memref<256x526xf32, #tpu.memory_space<vmem>>, vector<256x526xf32>
    %convert_element_type3A_200 = arith.truncf %get3A_199 : vector<256x526xf32> to vector<256x526xbf16>
    %dot_general3A_201 = arith.constant dense<0.000000e+00> : vector<64x256xf32>
    %dot_general3A_202 = tpu.matmul %convert_element_type3A_196, %convert_element_type3A_200, %dot_general3A_201 {dimension_numbers = #tpu.dot_dimension_numbers<[1], [1], [0], [0], [0, 0, 1, 0], [], []>, transpose_lhs_hint = false} : vector<64x526xbf16>, vector<256x526xbf16>, vector<64x256xf32> -> vector<64x256xf32>
    %add3A_203 = vector.broadcast %get3A_192 : vector<1x256xf32> to vector<64x256xf32>
    %add3A_204 = arith.addf %dot_general3A_202, %add3A_203 : vector<64x256xf32>
    %get3A_205 = arith.constant 0 : index
    %get3A_206 = arith.constant 3608 : index
    %get3A_207 = vector.load %arg13[%get3A_205, %get3A_206] : memref<1x6082xf32, #tpu.memory_space<vmem>>, vector<1x256xf32>
    %get3A_208 = arith.constant 0 : index
    %get3A_209 = arith.constant 5634 : index
    %get3A_210 = vector.load %arg13[%get3A_208, %get3A_209] : memref<1x6082xf32, #tpu.memory_space<vmem>>, vector<1x256xf32>
    %max3A_211 = arith.constant 0.000000e+00 : f32
    %max3A_212 = vector.broadcast %max3A_211 : f32 to vector<64x256xf32>
    %max3A_213 = arith.maximumf %add3A_204, %max3A_212 : vector<64x256xf32>
    %mul3A_214 = vector.broadcast %mul3A_47 : vector<64x1xf32> to vector<64x256xf32>
    %mul3A_215 = arith.mulf %mul3A_214, %max3A_213 : vector<64x256xf32>
    %reduce_sum3A_216 = arith.constant dense<0.000000e+00> : vector<256xf32>
    %reduce_sum3A_217 = vector.multi_reduction <add>, %mul3A_215, %reduce_sum3A_216 [0] : vector<64x256xf32> to vector<256xf32>
    %broadcast_in_dim3A_218 = vector.shape_cast %reduce_sum3A_217 : vector<256xf32> to vector<1x256xf32>
    %sub3A_219 = vector.broadcast %broadcast_in_dim3A_218 : vector<1x256xf32> to vector<64x256xf32>
    %sub3A_220 = arith.subf %max3A_213, %sub3A_219 : vector<64x256xf32>
    %mul3A_221 = arith.mulf %sub3A_220, %sub3A_220 : vector<64x256xf32>
    %mul3A_222 = vector.broadcast %mul3A_47 : vector<64x1xf32> to vector<64x256xf32>
    %mul3A_223 = arith.mulf %mul3A_222, %mul3A_221 : vector<64x256xf32>
    %reduce_sum3A_224 = arith.constant dense<0.000000e+00> : vector<256xf32>
    %reduce_sum3A_225 = vector.multi_reduction <add>, %mul3A_223, %reduce_sum3A_224 [0] : vector<64x256xf32> to vector<256xf32>
    %broadcast_in_dim3A_226 = vector.shape_cast %reduce_sum3A_225 : vector<256xf32> to vector<1x256xf32>
    %add3A_227 = arith.constant 9.99999974E-6 : f32
    %add3A_228 = vector.broadcast %add3A_227 : f32 to vector<1x256xf32>
    %add3A_229 = arith.addf %broadcast_in_dim3A_226, %add3A_228 : vector<1x256xf32>
    %rsqrt3A_230 = math.rsqrt %add3A_229 : vector<1x256xf32>
    %mul3A_231 = arith.mulf %get3A_207, %rsqrt3A_230 : vector<1x256xf32>
    %mul3A_232 = vector.broadcast %mul3A_231 : vector<1x256xf32> to vector<64x256xf32>
    %mul3A_233 = arith.mulf %sub3A_220, %mul3A_232 : vector<64x256xf32>
    %add3A_234 = vector.broadcast %get3A_210 : vector<1x256xf32> to vector<64x256xf32>
    %add3A_235 = arith.addf %mul3A_233, %add3A_234 : vector<64x256xf32>
    %get3A_236 = arith.constant 0 : index
    %get3A_237 = arith.constant 1834 : index
    %get3A_238 = vector.load %arg13[%get3A_236, %get3A_237] : memref<1x6082xf32, #tpu.memory_space<vmem>>, vector<1x128xf32>
    %dma_wait3A_239 = arith.constant 6 : i32
    %dma_wait3A_240 = tpu.memref_slice %arg20[%dma_wait3A_239] : memref<9x!tpu.dma_semaphore, #tpu.memory_space<semaphore_mem>> -> memref<1x!tpu.dma_semaphore, #tpu.memory_space<semaphore_mem>>
    %dma_wait3A_241 = tpu.memref_squeeze %dma_wait3A_240 : memref<1x!tpu.dma_semaphore, #tpu.memory_space<semaphore_mem>> -> memref<!tpu.dma_semaphore, #tpu.memory_space<semaphore_mem>>
    tpu.wait_dma2 semaphore(%dma_wait3A_241 : memref<!tpu.dma_semaphore, #tpu.memory_space<semaphore_mem>>) src(%arg6 : memref<128x256xf32, #tpu.memory_space<any>>) dst(%arg17 : memref<128x256xf32, #tpu.memory_space<vmem>>)
    %convert_element_type3A_242 = arith.truncf %add3A_235 : vector<64x256xf32> to vector<64x256xbf16>
    %get3A_243 = arith.constant 0 : index
    %get3A_244 = arith.constant 0 : index
    %get3A_245 = vector.load %arg17[%get3A_243, %get3A_244] : memref<128x256xf32, #tpu.memory_space<vmem>>, vector<128x256xf32>
    %convert_element_type3A_246 = arith.truncf %get3A_245 : vector<128x256xf32> to vector<128x256xbf16>
    %dot_general3A_247 = arith.constant dense<0.000000e+00> : vector<64x128xf32>
    %dot_general3A_248 = tpu.matmul %convert_element_type3A_242, %convert_element_type3A_246, %dot_general3A_247 {dimension_numbers = #tpu.dot_dimension_numbers<[1], [1], [0], [0], [0, 0, 1, 0], [], []>, transpose_lhs_hint = false} : vector<64x256xbf16>, vector<128x256xbf16>, vector<64x128xf32> -> vector<64x128xf32>
    %add3A_249 = vector.broadcast %get3A_238 : vector<1x128xf32> to vector<64x128xf32>
    %add3A_250 = arith.addf %dot_general3A_248, %add3A_249 : vector<64x128xf32>
    %get3A_251 = arith.constant 0 : index
    %get3A_252 = arith.constant 3864 : index
    %get3A_253 = vector.load %arg13[%get3A_251, %get3A_252] : memref<1x6082xf32, #tpu.memory_space<vmem>>, vector<1x128xf32>
    %get3A_254 = arith.constant 0 : index
    %get3A_255 = arith.constant 5890 : index
    %get3A_256 = vector.load %arg13[%get3A_254, %get3A_255] : memref<1x6082xf32, #tpu.memory_space<vmem>>, vector<1x128xf32>
    %max3A_257 = arith.constant 0.000000e+00 : f32
    %max3A_258 = vector.broadcast %max3A_257 : f32 to vector<64x128xf32>
    %max3A_259 = arith.maximumf %add3A_250, %max3A_258 : vector<64x128xf32>
    %mul3A_260 = vector.broadcast %mul3A_47 : vector<64x1xf32> to vector<64x128xf32>
    %mul3A_261 = arith.mulf %mul3A_260, %max3A_259 : vector<64x128xf32>
    %reduce_sum3A_262 = arith.constant dense<0.000000e+00> : vector<128xf32>
    %reduce_sum3A_263 = vector.multi_reduction <add>, %mul3A_261, %reduce_sum3A_262 [0] : vector<64x128xf32> to vector<128xf32>
    %broadcast_in_dim3A_264 = vector.shape_cast %reduce_sum3A_263 : vector<128xf32> to vector<1x128xf32>
    %sub3A_265 = vector.broadcast %broadcast_in_dim3A_264 : vector<1x128xf32> to vector<64x128xf32>
    %sub3A_266 = arith.subf %max3A_259, %sub3A_265 : vector<64x128xf32>
    %mul3A_267 = arith.mulf %sub3A_266, %sub3A_266 : vector<64x128xf32>
    %mul3A_268 = vector.broadcast %mul3A_47 : vector<64x1xf32> to vector<64x128xf32>
    %mul3A_269 = arith.mulf %mul3A_268, %mul3A_267 : vector<64x128xf32>
    %reduce_sum3A_270 = arith.constant dense<0.000000e+00> : vector<128xf32>
    %reduce_sum3A_271 = vector.multi_reduction <add>, %mul3A_269, %reduce_sum3A_270 [0] : vector<64x128xf32> to vector<128xf32>
    %broadcast_in_dim3A_272 = vector.shape_cast %reduce_sum3A_271 : vector<128xf32> to vector<1x128xf32>
    %add3A_273 = arith.constant 9.99999974E-6 : f32
    %add3A_274 = vector.broadcast %add3A_273 : f32 to vector<1x128xf32>
    %add3A_275 = arith.addf %broadcast_in_dim3A_272, %add3A_274 : vector<1x128xf32>
    %rsqrt3A_276 = math.rsqrt %add3A_275 : vector<1x128xf32>
    %mul3A_277 = arith.mulf %get3A_253, %rsqrt3A_276 : vector<1x128xf32>
    %mul3A_278 = vector.broadcast %mul3A_277 : vector<1x128xf32> to vector<64x128xf32>
    %mul3A_279 = arith.mulf %sub3A_266, %mul3A_278 : vector<64x128xf32>
    %add3A_280 = vector.broadcast %get3A_256 : vector<1x128xf32> to vector<64x128xf32>
    %add3A_281 = arith.addf %mul3A_279, %add3A_280 : vector<64x128xf32>
    %get3A_282 = arith.constant 0 : index
    %get3A_283 = arith.constant 1962 : index
    %get3A_284 = vector.load %arg13[%get3A_282, %get3A_283] : memref<1x6082xf32, #tpu.memory_space<vmem>>, vector<1x64xf32>
    %dma_wait3A_285 = arith.constant 7 : i32
    %dma_wait3A_286 = tpu.memref_slice %arg20[%dma_wait3A_285] : memref<9x!tpu.dma_semaphore, #tpu.memory_space<semaphore_mem>> -> memref<1x!tpu.dma_semaphore, #tpu.memory_space<semaphore_mem>>
    %dma_wait3A_287 = tpu.memref_squeeze %dma_wait3A_286 : memref<1x!tpu.dma_semaphore, #tpu.memory_space<semaphore_mem>> -> memref<!tpu.dma_semaphore, #tpu.memory_space<semaphore_mem>>
    tpu.wait_dma2 semaphore(%dma_wait3A_287 : memref<!tpu.dma_semaphore, #tpu.memory_space<semaphore_mem>>) src(%arg7 : memref<64x128xf32, #tpu.memory_space<any>>) dst(%arg18 : memref<64x128xf32, #tpu.memory_space<vmem>>)
    %convert_element_type3A_288 = arith.truncf %add3A_281 : vector<64x128xf32> to vector<64x128xbf16>
    %get3A_289 = arith.constant 0 : index
    %get3A_290 = arith.constant 0 : index
    %get3A_291 = vector.load %arg18[%get3A_289, %get3A_290] : memref<64x128xf32, #tpu.memory_space<vmem>>, vector<64x128xf32>
    %convert_element_type3A_292 = arith.truncf %get3A_291 : vector<64x128xf32> to vector<64x128xbf16>
    %dot_general3A_293 = arith.constant dense<0.000000e+00> : vector<64x64xf32>
    %dot_general3A_294 = tpu.matmul %convert_element_type3A_288, %convert_element_type3A_292, %dot_general3A_293 {dimension_numbers = #tpu.dot_dimension_numbers<[1], [1], [0], [0], [0, 0, 1, 0], [], []>, transpose_lhs_hint = false} : vector<64x128xbf16>, vector<64x128xbf16>, vector<64x64xf32> -> vector<64x64xf32>
    %add3A_295 = vector.broadcast %get3A_284 : vector<1x64xf32> to vector<64x64xf32>
    %add3A_296 = arith.addf %dot_general3A_294, %add3A_295 : vector<64x64xf32>
    %get3A_297 = arith.constant 0 : index
    %get3A_298 = arith.constant 3992 : index
    %get3A_299 = vector.load %arg13[%get3A_297, %get3A_298] : memref<1x6082xf32, #tpu.memory_space<vmem>>, vector<1x64xf32>
    %get3A_300 = arith.constant 0 : index
    %get3A_301 = arith.constant 6018 : index
    %get3A_302 = vector.load %arg13[%get3A_300, %get3A_301] : memref<1x6082xf32, #tpu.memory_space<vmem>>, vector<1x64xf32>
    %max3A_303 = arith.constant 0.000000e+00 : f32
    %max3A_304 = vector.broadcast %max3A_303 : f32 to vector<64x64xf32>
    %max3A_305 = arith.maximumf %add3A_296, %max3A_304 : vector<64x64xf32>
    %mul3A_306 = vector.broadcast %mul3A_47 : vector<64x1xf32> to vector<64x64xf32>
    %mul3A_307 = arith.mulf %mul3A_306, %max3A_305 : vector<64x64xf32>
    %reduce_sum3A_308 = arith.constant dense<0.000000e+00> : vector<64xf32>
    %reduce_sum3A_309 = vector.multi_reduction <add>, %mul3A_307, %reduce_sum3A_308 [0] : vector<64x64xf32> to vector<64xf32>
    %broadcast_in_dim3A_310 = vector.shape_cast %reduce_sum3A_309 : vector<64xf32> to vector<1x64xf32>
    %sub3A_311 = vector.broadcast %broadcast_in_dim3A_310 : vector<1x64xf32> to vector<64x64xf32>
    %sub3A_312 = arith.subf %max3A_305, %sub3A_311 : vector<64x64xf32>
    %mul3A_313 = arith.mulf %sub3A_312, %sub3A_312 : vector<64x64xf32>
    %mul3A_314 = vector.broadcast %mul3A_47 : vector<64x1xf32> to vector<64x64xf32>
    %mul3A_315 = arith.mulf %mul3A_314, %mul3A_313 : vector<64x64xf32>
    %reduce_sum3A_316 = arith.constant dense<0.000000e+00> : vector<64xf32>
    %reduce_sum3A_317 = vector.multi_reduction <add>, %mul3A_315, %reduce_sum3A_316 [0] : vector<64x64xf32> to vector<64xf32>
    %broadcast_in_dim3A_318 = vector.shape_cast %reduce_sum3A_317 : vector<64xf32> to vector<1x64xf32>
    %add3A_319 = arith.constant 9.99999974E-6 : f32
    %add3A_320 = vector.broadcast %add3A_319 : f32 to vector<1x64xf32>
    %add3A_321 = arith.addf %broadcast_in_dim3A_318, %add3A_320 : vector<1x64xf32>
    %rsqrt3A_322 = math.rsqrt %add3A_321 : vector<1x64xf32>
    %mul3A_323 = arith.mulf %get3A_299, %rsqrt3A_322 : vector<1x64xf32>
    %mul3A_324 = vector.broadcast %mul3A_323 : vector<1x64xf32> to vector<64x64xf32>
    %mul3A_325 = arith.mulf %sub3A_312, %mul3A_324 : vector<64x64xf32>
    %add3A_326 = vector.broadcast %get3A_302 : vector<1x64xf32> to vector<64x64xf32>
    %add3A_327 = arith.addf %mul3A_325, %add3A_326 : vector<64x64xf32>
    %get3A_328 = arith.constant 0 : index
    %get3A_329 = arith.constant 2026 : index
    %get3A_330 = vector.load %arg13[%get3A_328, %get3A_329] : memref<1x6082xf32, #tpu.memory_space<vmem>>, vector<1x4xf32>
    %dma_wait3A_331 = arith.constant 8 : i32
    %dma_wait3A_332 = tpu.memref_slice %arg20[%dma_wait3A_331] : memref<9x!tpu.dma_semaphore, #tpu.memory_space<semaphore_mem>> -> memref<1x!tpu.dma_semaphore, #tpu.memory_space<semaphore_mem>>
    %dma_wait3A_333 = tpu.memref_squeeze %dma_wait3A_332 : memref<1x!tpu.dma_semaphore, #tpu.memory_space<semaphore_mem>> -> memref<!tpu.dma_semaphore, #tpu.memory_space<semaphore_mem>>
    tpu.wait_dma2 semaphore(%dma_wait3A_333 : memref<!tpu.dma_semaphore, #tpu.memory_space<semaphore_mem>>) src(%arg8 : memref<4x64xf32, #tpu.memory_space<any>>) dst(%arg19 : memref<4x64xf32, #tpu.memory_space<vmem>>)
    %convert_element_type3A_334 = arith.truncf %add3A_327 : vector<64x64xf32> to vector<64x64xbf16>
    %get3A_335 = arith.constant 0 : index
    %get3A_336 = arith.constant 0 : index
    %get3A_337 = vector.load %arg19[%get3A_335, %get3A_336] : memref<4x64xf32, #tpu.memory_space<vmem>>, vector<4x64xf32>
    %convert_element_type3A_338 = arith.truncf %get3A_337 : vector<4x64xf32> to vector<4x64xbf16>
    %dot_general3A_339 = arith.constant dense<0.000000e+00> : vector<64x4xf32>
    %dot_general3A_340 = tpu.matmul %convert_element_type3A_334, %convert_element_type3A_338, %dot_general3A_339 {dimension_numbers = #tpu.dot_dimension_numbers<[1], [1], [0], [0], [0, 0, 1, 0], [], []>, transpose_lhs_hint = false} : vector<64x64xbf16>, vector<4x64xbf16>, vector<64x4xf32> -> vector<64x4xf32>
    %add3A_341 = vector.broadcast %get3A_330 : vector<1x4xf32> to vector<64x4xf32>
    %add3A_342 = arith.addf %dot_general3A_340, %add3A_341 : vector<64x4xf32>
    %transpose3A = tpu.transpose %add3A_342, [1, 0] : vector<64x4xf32> -> vector<4x64xf32>
    %swap3A_343 = arith.constant 0 : index
    %swap3A_344 = arith.constant 0 : index
    %swap3A_345 = vector.load %arg9[%swap3A_343, %swap3A_344] : memref<4x64xf32, #tpu.memory_space<vmem>>, vector<4x64xf32>
    tpu.vector_store %arg9[%swap3A_343, %swap3A_344], %transpose3A {strides = array<i32>} : memref<4x64xf32, #tpu.memory_space<vmem>>, vector<4x64xf32>,
    return
  }
}

</mosaic_0001>

<sc_bundles>
// kernel: kernel.4.cloned.1.call-start
scs
__scs_entry_jumppad:
0x0: {  	(pc) =	sbr.rel $0x88, $3  }
0x1: {  	(tag) =	ssettag $0x0;
	lr =	simm.s32 $0x1  }
0x2: {  	[smem:$0x3F87] =	sst lr;
	_ =	strace $0xD0000000  }
0x3: {  	_ = 	snop  }
0x4: {  	_ = 	snop  }
0x5: {  	_ = 	snop  }
0x6: {  	_ = 	snop  }
0x7: {  	_ = 	snop  }
__scs_overlays_trampoline_lowered:
0x8: {  	[smem:$0x3F96] =	sst s0  }
0x9: {  	[smem:$0x3F97] =	sst s1  }
0xa: {  	[smem:$0x3F98] =	sst s2  }
0xb: {  	[smem:$0x3F99] =	sst s3  }
0xc: {  	[smem:$0x3F9A] =	sst s4  }
0xd: {  	[smem:$0x3F9B] =	sst s5  }
0xe: {  	[smem:$0x3F9C] =	sst s6  }
0xf: {  	[smem:$0x3F9D] =	sst s7  }
0x10: {  	[smem:$0x3F9E] =	sst s8  }
0x11: {  	[smem:$0x3F9F] =	sst s9;
	s0 =	simm.s32 @!p0 $0x0  }
0x12: {  	s1 =	sld [smem:$0x3F85];
	s0 =	simm.s32 @p0 $0x1  }
0x13: {  	[smem:$0x3FA0] =	sst s0;
	s0 =	simm.s32 @!p1 $0x0  }
0x14: {  	s2 =	sld [smem:$0x3F84];
	s0 =	simm.s32 @p1 $0x1  }
0x15: {  	[smem:$0x3FA1] =	sst s0;
	s0 =	simm.s32 @!p2 $0x0  }
0x16: {  	s3 =	sld [smem:$0x3FDB];
	s0 =	simm.s32 @p2 $0x1  }
0x17: {  	s4 =	simm.s32 $0x1BF5;
	[smem:$0x3FA3] =	sst s0  }
0x18: {  	s0 =	sld [smem:$0x3F86];
	_ =	swait.ge [sflag:s4], $0x0  }
0x19: {  	s7 =	sld [smem:$0x3F87]  }
0x1a: {  	s8 =	sadd.s32 $0xFFFFE003, lr  }
0x1b: {  	s9 =	sadd.s32 $0xFFFFFEF7, lr;
	s5 =	simm.s32 $0xFFFFFFFF;
	p2 =	slt.u32 s8, $0xFFFFF086  }
0x1c: {  	p1 =	slt.u32 s9, $0xF7A;
	s5 =	simm.s32 @!p2 $0x0  }
0x1d: {  	s5 =	simm.s32 @p1 $0x1;
	p0 =	seq.s32 s7, s2  }
0x1e: {  	s7 =	smul.u32 @!p0 $0xF7A, s2;
	p2 =	seq.s32 @!p0 s5, $0x0  }
0x1f: {  	s9 =	smul.u32 $0xF7A, s1;
	s8 =	simm.s32 @!p0 $0x1BF5;
	p2 =	por !p2, p0  }
0x20: {  	[sflag:s8] =	ssyncset.s32 @!p0 $0xFFFFF086;
	s6 =	sadd.s32 @!p0 s3, s7;
	s7 =	simm.s32 @!p0 $0x108  }
0x21: {  	s3 =	sadd.s32 s3, s9;
	s6 =	sadd.s32 @!p0 $0x88, s6;
	s7 =	simm.s32 @p2 $0x1082  }
0x22: {  	[simem:s7], [sflag:s8] =	dma.local @!p0 [hbm:s6], $0xF7A  }
0x23: {  	s9 =	sor.u32 $0xD0000000, s2;
	s6 =	simm.s32 $0x108;
	_ =	swait.ge @!p0 [sflag:s8], $0x0  }
0x24: {  	s3 =	sadd.s32 $0x88, s3;
	s6 =	simm.s32 @!p1 $0x1082;
	[sflag:s4] =	ssyncset.s32 $0xFFFFF086  }
0x25: {  	[simem:s6], [sflag:s4] =	dma.local [hbm:s3], $0xF7A  }
0x26: {  	[smem:$0x3F87] =	sst s1;
	(tag) =	ssettag s2;
	_ =	strace s9  }
0x27: {  	s1 =	sld [smem:$0x3F97]  }
0x28: {  	s2 =	sld [smem:$0x3F98]  }
0x29: {  	s4 =	sld [smem:$0x3F9A]  }
0x2a: {  	p0 =	seq.s32 s5, $0x0;
	s5 =	sld [smem:$0x3F9B]  }
0x2b: {  	s6 =	sld [smem:$0x3F9C]  }
0x2c: {  	s7 =	sld [smem:$0x3F9D]  }
0x2d: {  	s3 =	simm.s32 $0x108;
	s8 =	sld [smem:$0x3F9E]  }
0x2e: {  	s3 =	simm.s32 @!p0 $0x1082;
	s9 =	sld [smem:$0x3F9F]  }
0x2f: {  	lr =	sadd.s32 s0, s3;
	s0 =	sld [smem:$0x3F96]  }
0x30: {  	s3 =	sld [smem:$0x3F99]  }
0x31: {  	[smem:$0x3FA2] =	sst s10  }
0x32: {  	s10 =	sld [smem:$0x3FA0];
	_ =	sdelay $0x3  }
0x33: {  	p0 =	seq.s32 s10, $0x1;
	s10 =	sld [smem:$0x3FA2];
	_ =	sdelay $0x3  }
0x34: {  	[smem:$0x3FA2] =	sst s10  }
0x35: {  	s10 =	sld [smem:$0x3FA1];
	_ =	sdelay $0x3  }
0x36: {  	p1 =	seq.s32 s10, $0x1;
	s10 =	sld [smem:$0x3FA2];
	_ =	sdelay $0x3  }
0x37: {  	[smem:$0x3FA2] =	sst s10  }
0x38: {  	s10 =	sld [smem:$0x3FA3]  }
0x39: {  	_ = 	snop;
	(pc) =	sbr.ind lr, $3  }
0x3a: {  	_ = 	snop  }
0x3b: {  	_ = 	snop  }
0x3c: {  	p2 =	seq.s32 s10, $0x1;
	s10 =	sld [smem:$0x3FA2]  }
0x3d: {  	_ =	shalt  }
0x3e: {  	_ =	shalt  }
0x3f: {  	_ =	shalt  }
0x40: {  	_ =	shalt  }
0x41: {  	_ =	shalt  }
0x42: {  	_ =	shalt  }
0x43: {  	_ =	shalt  }
0x44: {  	_ =	shalt  }
0x45: {  	_ =	shalt  }
0x46: {  	_ =	shalt  }
0x47: {  	_ =	shalt  }
0x48: {  	_ =	shalt  }
0x49: {  	_ =	shalt  }
0x4a: {  	_ =	shalt  }
0x4b: {  	_ =	shalt  }
0x4c: {  	_ =	shalt  }
0x4d: {  	_ =	shalt  }
0x4e: {  	_ =	shalt  }
0x4f: {  	_ =	shalt  }
0x50: {  	_ =	shalt  }
0x51: {  	_ =	shalt  }
0x52: {  	_ =	shalt  }
0x53: {  	_ =	shalt  }
0x54: {  	_ =	shalt  }
0x55: {  	_ =	shalt  }
0x56: {  	_ =	shalt  }
0x57: {  	_ =	shalt  }
0x58: {  	_ =	shalt  }
0x59: {  	_ =	shalt  }
0x5a: {  	_ =	shalt  }
0x5b: {  	_ =	shalt  }
0x5c: {  	_ =	shalt  }
0x5d: {  	_ =	shalt  }
0x5e: {  	_ =	shalt  }
0x5f: {  	_ =	shalt  }
0x60: {  	_ =	shalt  }
0x61: {  	_ =	shalt  }
0x62: {  	_ =	shalt  }
0x63: {  	_ =	shalt  }
0x64: {  	_ =	shalt  }
0x65: {  	_ =	shalt  }
0x66: {  	_ =	shalt  }
0x67: {  	_ =	shalt  }
0x68: {  	_ =	shalt  }
0x69: {  	_ =	shalt  }
0x6a: {  	_ =	shalt  }
0x6b: {  	_ =	shalt  }
0x6c: {  	_ =	shalt  }
0x6d: {  	_ =	shalt  }
0x6e: {  	_ =	shalt  }
0x6f: {  	_ =	shalt  }
0x70: {  	_ =	shalt  }
0x71: {  	_ =	shalt  }
0x72: {  	_ =	shalt  }
0x73: {  	_ =	shalt  }
0x74: {  	_ =	shalt  }
0x75: {  	_ =	shalt  }
0x76: {  	_ =	shalt  }
0x77: {  	_ =	shalt  }
0x78: {  	_ =	shalt  }
0x79: {  	_ =	shalt  }
0x7a: {  	_ =	shalt  }
0x7b: {  	_ =	shalt  }
0x7c: {  	_ =	shalt  }
0x7d: {  	_ =	shalt  }
0x7e: {  	_ =	shalt  }
0x7f: {  	_ =	shalt  }
0x80: {  	_ =	shalt  }
0x81: {  	_ =	shalt  }
0x82: {  	_ =	shalt  }
0x83: {  	_ =	shalt  }
0x84: {  	_ =	shalt  }
0x85: {  	_ =	shalt  }
0x86: {  	_ =	shalt  }
0x87: {  	_ =	shalt  }
.Lfunc_end0:
.L_simem_size_0:
called_computation_lowered:
.L_overlay_start_0:
0x88: {  	s2 =	sld [smem:$0x3FD9]  }
0x89: {  	s3 =	sld [smem:$0x3FFE];
	_ =	sdelay $0x1  }
0x8a: {  	s1 =	srdreg.scid  }
0x8b: {  	s0 =	sand.u32 $0x1, s1  }
0x8c: {  	s17 =	sshll.u32 s0, $0xA;
	s2 =	sadd.s32 s3, s2  }
0x8d: {  	s2 =	sadd.s32 s2, s17  }
0x8e: {  	[smem:$0x3FAE] =	sst s2  }
0x8f: {  	_ = 	snop  }
0x90: {  	s2 =	sld [smem:$0x3FD0];
	(tm) =	ssettm $0x1  }
0x91: {  	s18 =	sld [smem:$0x3FFB];
	_ =	sdelay $0x3  }
0x92: {  	_ =	strace s18  }
0x93: {  	s3 =	sld [smem:$0x3FFC];
	_ =	sdelay $0x3  }
0x94: {  	_ =	strace s3  }
0x95: {  	s3 =	sld [smem:$0x3FFD];
	_ =	sdelay $0x3  }
0x96: {  	_ =	strace s3  }
0x97: {  	_ =	strace $0x8FFFFFFF  }
0x98: {  	s19 =	sld [smem:$0x3FDB];
	_ =	sdelay $0x1  }
0x99: {  	s4 =	simm.s32 $_scs_section_size  }
0x9a: {  	s5 =	simm.s32 $_size__tile_overlayer_lowered;
	s6 =	simm.s32 $_tile_overlayer_lowered  }
0x9b: {  	s22 =	simm.s32 $0x1BFF;
	s21 =	sshll.u32 s6, $0x1;
	s3 =	sadd.s32 s4, s19  }
0x9c: {  	s7 =	simm.s32 $0x0;
	s20 =	sshll.u32 s5, $0x1;
	s5 =	sadd.s32 s21, s3  }
0x9d: {  	[timem:s7], [sflag:s22] =	dma.local [hbm:s5], s20  }
0x9e: {  	_ =	swait.ge [sflag:s22], s20  }
0x9f: {  	s4 =	ssub.s32 $0x0, s20;
	[sflag:s22] =	ssyncset.done $0x0  }
0xa0: {  	[sflag:s22] =	ssyncadd.s32 s4;
	_ =	sdelay $0x1  }
0xa1: {  	s23 =	simm.s32 $0x1B8B  }
0xa2: {  	_ =	swait.ge [sflag:s23], $0x1  }
0xa3: {  	[sflag:s23] =	ssyncset.done $0x0  }
0xa4: {  	s25 =	simm.s32 $0x1B8E;
	s24 =	sld [smem:$0x3FFE];
	[sflag:s23] =	ssyncadd.s32 $0xFFFFFFFF  }
0xa5: {  	s26 =	simm.s32 $execute0_lowered;
	[smem:$0x3FD2] =	sst s25  }
0xa6: {  	s5 =	sshll.u32 s26, $0x1;
	_ =	strace $0x80000046;
	[dreg:$0x1] =	wrdreg $0xFFFFFFFF  }
0xa7: {  	s28 =	simm.s32 $_size_execute0_lowered;
	s3 =	sadd.s32 s3, s5;
	[dreg:$0x0] =	wrdreg $0x0  }
0xa8: {  	s5 =	sshll.u32 s28, $0x1;
	[dreg:$0x2] =	wrdreg s3  }
0xa9: {  	[dreg:$0x3] =	wrdreg s5  }
0xaa: {  	[dreg:$0x4] =	wrdreg $0xC0  }
0xab: {  	_ =	task [dreg:s7], $0x5FFFF  }
0xac: {  	[dreg:$0x1] =	wrdreg $0xFFFFFFFF  }
0xad: {  	[dreg:$0x0] =	wrdreg $0x60  }
0xae: {  	[dreg:$0x2] =	wrdreg s24  }
0xaf: {  	[dreg:$0x3] =	wrdreg s2  }
0xb0: {  	[dreg:$0x4] =	wrdreg $0x9  }
0xb1: {  	_ =	task.clear_ibuf [dreg:s7], $0x5FFFF;
	_ =	strace $0x90000046  }
0xb2: {  	s29 =	simm.s32 $0x9;
	_ =	strace $0x80000048  }
0xb3: {  	_ =	swait.ge [sflag:s29], $0x1  }
0xb4: {  	[sflag:s29] =	ssyncadd.s32 $0xFFFFFFFF  }
0xb5: {  	_ =	strace $0x90000048  }
0xb6: {  	_ =	sfence  }
0xb7: {  	s30 =	sld [smem:$0x0];
	_ =	sdelay $0x2  }
0xb8: {  	s31 =	sshll.u32 s1, $0xD;
	s1 =	sshrl.u32 s1, $0x2  }
0xb9: {  	s3 =	sand.u32 $0x4000, s31;
	s1 =	sadd.s32 s1, s30  }
0xba: {  	s0 =	sor.u32 s3, s0;
	s1 =	sshll.u32 s1, $0x11  }
0xbb: {  	s0 =	sor.u32 s1, s0  }
0xbc: {  	s0 =	sadd.s32 $0x8F2B, s0  }
0xbd: {  	[sflag:s0] =	ssyncadd.remote.s32 $0x1  }
0xbe: {  	_ =	sfence.sel $0xFFFF  }
0xbf: {  	[dreg:$0x0] =	wrdreg $0xFFFFFFFF;
	(pc) =	sbr.abs _section_cstart, $3  }
0xc0: {  	[dreg:$0x1] =	wrdreg $0xFFFFFFFF  }
0xc1: {  	_ =	task.clear_ibuf [dreg:s7], $0x2FFFF;
	_ =	strace $0x9FFFFFFF  }
0xc2: {  	(tm) =	ssettm $0x7FFFFFFF  }
0xc3: {  	_ =	shalt  }
tec
execute0_lowered:
.L_overlay_start_1:
0x0: {  	(tag) =	ssettag $0x1  }
0x1: {  	s4 =	rddreg [dreg:$0x0]  }
0x2: {  	s5 =	rddreg [dreg:$0x1];
	s2 =	srdreg.scid  }
0x3: {  	s0 =	rddreg [dreg:$0x2];
	s1 =	stileid.u32  }
0x4: {  	s9 =	simm.s32 $0x80;
	s10 =	simm.s32 $0x100;
	s11 =	simm.s32 $0x180  }
0x5: {  	s12 =	simm.s32 $0x400;
	s13 =	simm.s32 $0x0;
	s3 =	sand.u32 $0x1, s2  }
0x6: {  	s2 =	simm.s32 $0x0;
	s6 =	sshll.u32 s1, $0xA;
	s7 =	sshll.u32 s3, $0x9  }
0x7: {  	[smem:$0x7FF] =	sst s2;
	s8 =	ssub.s32 $0x2, s3;
	s6 =	sor.u32 s7, s6  }
0x8: {  	s3 =	sadd.s32 $0x1E00, s4;
	_ =	strace $0x80000047;
	s7 =	sshrl.u32 s6, $0x3  }
0x9: {  	s31 =	sshrl.u32 s8, $0x1;
	s6 =	sshrl.u32 s6, $0x1;
	s4 =	sadd.s32 s7, s4  }
0xa: {  	s7 =	ssub.s32 s8, s31;
	s5 =	sadd.s32 s5, s6;
	s8 =	simm.s32 $0x200  }
0xb: {  	s4 =	sadd.s32 $0x1600, s4;
	s6 =	smax.u32 s7, $0x1;
	s7 =	simm.s32 $0x1  }
.LBB2_1:
0xc: {  	[tilespmem:s2], [sflag:$0x1] =	stream.linear.gather [hbm4b:s3+s2], $0x200, $0x38;
	[tilespmem:$0xC00] =	vst v63  }
0xd: {  	_ =	swait.ge [sflag:s7], $0x200  }
0xe: {  	[sflag:s7] =	ssyncset.done $0x0  }
0xf: {  	[sflag:s7] =	ssyncadd.s32 $0xFFFFFE00  }
0x10: {  	[tilespmem:s8], [sflag:$0x1] =	stream.linear.gather [hbm4b:s4+s2], $0x200, $0x38;
	[tilespmem:$0xC00] =	vst v63  }
0x11: {  	_ =	swait.ge [sflag:s7], $0x200  }
0x12: {  	s17 =	simm.s32 $0x0;
	s16 =	simm.s32 $0x10;
	[sflag:s7] =	ssyncset.done $0x0  }
0x13: {  	s15 =	simm.s32 $0x0;
	s14 =	simm.s32 $0x0;
	[sflag:s7] =	ssyncadd.s32 $0xFFFFFE00  }
.LBB2_2:
0x14: {  	p0 =	sne.s32 s16, $0x1F0;
	v0 =	vld [tilespmem:s17+$0x200];
	_ =	sdelay $0x7  }
0x15: {  	v1 =	vld.idx.msk [tilespmem:v0+s2+$0x0], $0xffff;
	_ =	sdelay $0x3  }
0x16: {  	s17 =	sand.u32 $0x70, s15;
	s18 =	sand.u32 $0x600, s14;
	s15 =	smov.u32 s16  }
0x17: {  	s18 =	sor.u32 s17, s18  }
0x18: {  	[tilespmem:s18+$0x400] =	vst v1  }
0x19: {  	v1 =	vld.idx.msk [tilespmem:v0+s9+$0x0], $0xffff;
	_ =	sdelay $0x5  }
0x1a: {  	[tilespmem:s18+$0x480] =	vst v1  }
0x1b: {  	v1 =	vld.idx.msk [tilespmem:v0+s10+$0x0], $0xffff;
	_ =	sdelay $0x5  }
0x1c: {  	[tilespmem:s18+$0x500] =	vst v1  }
0x1d: {  	v0 =	vld.idx.msk [tilespmem:v0+s11+$0x0], $0xffff;
	_ =	sdelay $0x1  }
.Ltmp0:
0x1e: {  	(pc) =	sbr.rel @p0 .LBB2_2-.Ltmp0, $3  }
0x1f: {  	_ =	sdelay $0x1  }
0x20: {  	s14 =	sadd.s32 $0x40, s14  }
0x21: {  	s16 =	sadd.s32 $0x10, s16;
	s17 =	sshra.s32 s14, $0x2;
	[tilespmem:s18+$0x580] =	vst v0  }
0x22: {  	v0 =	vld [tilespmem:s17+$0x200];
	_ =	sdelay $0x7  }
0x23: {  	v1 =	vld.idx.msk [tilespmem:v0+s2+$0x0], $0xffff;
	_ =	sdelay $0x2  }
0x24: {  	s15 =	sand.u32 $0x70, s15;
	s14 =	sand.u32 $0x600, s14  }
0x25: {  	s14 =	sor.u32 s15, s14  }
0x26: {  	[tilespmem:s14+$0x400] =	vst v1  }
0x27: {  	v1 =	vld.idx.msk [tilespmem:v0+s9+$0x0], $0xffff;
	_ =	sdelay $0x4  }
0x28: {  	[tilespmem:s14+$0x480] =	vst v1  }
0x29: {  	v1 =	vld.idx.msk [tilespmem:v0+s10+$0x0], $0xffff;
	_ =	sdelay $0x4  }
0x2a: {  	[tilespmem:s14+$0x500] =	vst v1  }
0x2b: {  	v0 =	vld.idx.msk [tilespmem:v0+s11+$0x0], $0xffff;
	_ =	sdelay $0x2  }
0x2c: {  	s13 =	sadd.s32 $0x1, s13  }
0x2d: {  	p0 =	sne.s32 s13, s6  }
.Ltmp1:
0x2e: {  	[tilespmem:s14+$0x580] =	vst v0;
	(pc) =	sbr.rel @p0 .LBB2_1-.Ltmp1, $4  }
0x2f: {  	[hbm4b:s5+s2] =	stream.linear.scatter [tilespmem:s12], [sflag:$0x1], $0x800, $0x38;
	[tilespmem:$0xC00] =	vst v63  }
0x30: {  	_ =	swait.ge [sflag:s7], $0x800  }
0x31: {  	[sflag:s7] =	ssyncset.done $0x0  }
0x32: {  	[sflag:s7] =	ssyncadd.s32 $0xFFFFF800  }
0x33: {  	_ =	sfence.sel $0x180000  }
0x34: {  	[bflag:$0x0] =	sbarrier.arrive $0xFFFF  }
0x35: {  	p0 =	sne.s32 s1, $0x0;
	_ =	strace $0x90000047  }
0x36: {  	s0 =	sadd.s32 @!p0 $0x100000, s0;
	[bflag:$0x2] =	sbarrier.arrive $0xFFFF  }
0x37: {  	[sflag:s0] =	ssyncadd.tile.s32 @!p0 $0x1;
	_ =	shalt  }
.Lfunc_end2:
_tile_overlayer_lowered:
.L_overlay_start_2:
0x38: {  	(tag) =	ssettag $0x2  }
0x39: {  	s0 =	rddreg [dreg:$0x0];
	s2 =	stileid.u32  }
0x3a: {  	s1 =	rddreg [dreg:$0x1];
	p0 =	sne.s32 s2, $0x0  }
0x3b: {  	s3 =	rddreg [dreg:$0x2];
	[bflag:$0x3] =	sbarrier.arrive $0xFFFF;
	s2 =	simm.s32 @!p0 $0x1C01  }
0x3c: {  	[timem:s3], [sflag:s2] =	dma.local @!p0 [hbm:s0], s1  }
0x3d: {  	s0 =	simm.s32 @!p0 $0x1  }
0x3e: {  	_ =	swait.ge @!p0 [sflag:s0], s1  }
0x3f: {  	s1 =	ssub.s32 @!p0 $0x0, s1;
	[sflag:s0] =	ssyncset.done @!p0 $0x0  }
0x40: {  	[sflag:s0] =	ssyncadd.s32 @!p0 s1  }
0x41: {  	[bflag:$0x3] =	sbarrier.arrive $0xFFFF  }
0x42: {  	_ =	shalt  }

</sc_bundles>
